<compile_context>
chip_gen: v7x
topology: tpu7x:2x2x1
jax: 0.10.2.dev20260603
libtpu: 0.0.44.dev20260713+nightly
codegen_flags: <defaults>
</compile_context>

<pallas_src>
import jax
import jax.numpy as jnp
from jax import lax
from jax.experimental import pallas as pl
from jax.experimental.pallas import tpu as pltpu, tpu_sc as plsc

_NC = 2
_NS = 16


def kernel(x, demog_label, att_channel):
    B, C, H, W = x.shape
    nd = att_channel.shape[0]
    att2 = att_channel.reshape(nd, C)

    n_active = 16
    b_per_w = B // n_active

    mesh = plsc.VectorSubcoreMesh(core_axis_name="c", subcore_axis_name="s")

    def _sc_body(att_hbm, lab_hbm, g_hbm, att_out_hbm, idx_v, rows_v, att_v,
                 sem):
        wid = lax.axis_index("s") * _NC + lax.axis_index("c")

        @pl.when(wid < n_active)
        def _gather():
            base = wid * b_per_w
            pltpu.sync_copy(lab_hbm.at[pl.ds(base, b_per_w)], idx_v)
            pltpu.async_copy(att_hbm.at[idx_v], rows_v, sem).wait()
            pltpu.sync_copy(rows_v, g_hbm.at[pl.ds(base, b_per_w)])

        @pl.when(wid == n_active)
        def _att_copy():
            pltpu.sync_copy(att_hbm, att_v)
            pltpu.sync_copy(att_v, att_out_hbm)

    sc_call = pl.kernel(
        _sc_body,
        out_type=[
            jax.ShapeDtypeStruct((B, C), jnp.float32),
            jax.ShapeDtypeStruct((nd, C), jnp.float32),
        ],
        mesh=mesh,
        scratch_types=[
            pltpu.VMEM((b_per_w,), jnp.int32),
            pltpu.VMEM((b_per_w, C), jnp.float32),
            pltpu.VMEM((nd, C), jnp.float32),
            pltpu.SemaphoreType.DMA,
        ],
        name="att_row_gather_sc",
    )
    _g, att_out = sc_call(att2, demog_label)

    return (x, att_out.reshape(att_channel.shape))

# --- scband reference (transcript-rebuilt; emitter-appended) ---
"""Pipeline reference for scband-att-block-84052509982807 (READ-ONLY COPY).

The authoritative reference and input builder live on the scoring server;
editing this copy changes nothing except your own understanding.
"""

import jax, jax.numpy as jnp
import numpy as np

B, C, H, W = 128, 256, 32, 32
NDEMOGS = 4


def setup_inputs(seed: int = 0) -> dict:
    key = jax.random.key(seed)
    k1, k2, k3 = jax.random.split(key, 3)
    x = jax.random.normal(k1, (B, C, H, W), dtype=jnp.float32)
    demog_label = jax.random.randint(k2, (B,), 0, NDEMOGS, dtype=jnp.int32)
    # xavier_uniform_ for shape (ndemogs, 1, C, 1, 1): fan_in = 1*C, fan_out = ndemogs*C
    fan_in = 1 * C * 1 * 1
    fan_out = NDEMOGS * C * 1 * 1
    bound = float(np.sqrt(6.0 / (fan_in + fan_out)))
    att_channel = jax.random.uniform(k3, (NDEMOGS, 1, C, 1, 1), dtype=jnp.float32,
                                     minval=-bound, maxval=bound)
    return {"x": x, "demog_label": demog_label, "att_channel": att_channel}


def reference(x, demog_label, att_channel):
    # Faithful translation of AttBlock.forward with use_spatial_att=False.
    # NOTE: the original torch code does `y[indices, :, :, :].sq = ...` which
    # assigns an attribute `.sq` on a temporary tensor produced by advanced
    # indexing. This does NOT mutate y. Hence the per-demog channel-attention
    # product is computed but discarded, and the returned y is exactly x.
    # We replicate the gather+multiply workload (embedding-style lookup of the
    # per-demog attention row) but return x unchanged, matching torch output.
    gathered = jnp.take(att_channel, demog_label, axis=0)  # [B, 1, C, 1, 1]
    _discarded = x * gathered[:, 0, :, :, :]  # [B, C, H, W], unused (matches torch no-op)
    y = x
    att_spatial = None  # use_spatial_att=False
    return (y, att_channel)

if __name__ == "__main__":
    import jax
    _d = setup_inputs()
    print(jax.jit(kernel)(*tuple(_d.values())))

</pallas_src>

<mosaic_0001>
#map = affine_map<(d0, d1) -> (0, 0)>
#map1 = affine_map<(d0, d1) -> (0)>
module attributes {stable_mosaic.version = 14 : i64} {
  func.func @att_row_gather_sc(%arg0: i32, %arg1: i32, %arg2: memref<4x256xf32, #tpu.memory_space<hbm>>, %arg3: memref<128xi32, #tpu.memory_space<hbm>>, %arg4: memref<128x256xf32, #tpu.memory_space<hbm>>, %arg5: memref<4x256xf32, #tpu.memory_space<hbm>>, %arg6: memref<8xi32, #tpu.memory_space<vmem>>, %arg7: memref<8x256xf32, #tpu.memory_space<vmem>>, %arg8: memref<4x256xf32, #tpu.memory_space<vmem>>, %arg9: memref<!tpu.dma_semaphore, #tpu.memory_space<semaphore_mem>>) attributes {dimension_semantics = [#tpu.dimension_semantics<core_parallel>, #tpu.dimension_semantics<subcore_parallel>], iteration_bounds = array<i64: 2, 16>, scalar_prefetch = 0 : i64, scratch_operands = 4 : i64, tpu.core_type = #tpu.core_type<sc_vector_subcore>, window_params = [{transform_indices = #map}, {transform_indices = #map1}, {transform_indices = #map}, {transform_indices = #map}]} {
    %mul3A = arith.constant 2 : i32
    %mul3A_0 = arith.muli %arg1, %mul3A : i32
    %add3A = arith.addi %mul3A_0, %arg0 : i32
    %lt3A = arith.constant 16 : i32
    %lt3A_1 = arith.cmpi slt, %add3A, %lt3A : i32
    %convert_element_type3A = arith.extui %lt3A_1 : i1 to i32
    %cond3A = arith.constant 0 : i32
    %cond3A_2 = arith.cmpi ne, %convert_element_type3A, %cond3A : i32
    scf.if %cond3A_2 {
      %mul3A_7 = arith.constant 8 : i32
      %mul3A_8 = arith.muli %add3A, %mul3A_7 : i32
      "tpu.region"() ({
        %run_scoped3A = tpu.sem_alloc : memref<!tpu.dma_semaphore, #tpu.memory_space<semaphore_mem>>
        %dma_start3A_13 = tpu.memref_slice %arg3[%mul3A_8] : memref<128xi32, #tpu.memory_space<hbm>> -> memref<8xi32, #tpu.memory_space<hbm>>
        %dma_start3A_14 = tpu.memref_slice %arg3[%mul3A_8] : memref<128xi32, #tpu.memory_space<hbm>> -> memref<8xi32, #tpu.memory_space<hbm>>
        tpu.enqueue_dma source(%dma_start3A_14 : memref<8xi32, #tpu.memory_space<hbm>>) target(%arg6 : memref<8xi32, #tpu.memory_space<vmem>>) target_semaphore(%run_scoped3A : memref<!tpu.dma_semaphore, #tpu.memory_space<semaphore_mem>>)
        %dma_wait3A_15 = tpu.memref_slice %arg3[%mul3A_8] : memref<128xi32, #tpu.memory_space<hbm>> -> memref<8xi32, #tpu.memory_space<hbm>>
        %dma_wait3A_16 = tpu.memref_slice %arg3[%mul3A_8] : memref<128xi32, #tpu.memory_space<hbm>> -> memref<8xi32, #tpu.memory_space<hbm>>
        tpu.wait_dma2 semaphore(%run_scoped3A : memref<!tpu.dma_semaphore, #tpu.memory_space<semaphore_mem>>) src(%dma_wait3A_16 : memref<8xi32, #tpu.memory_space<hbm>>) dst(%arg6 : memref<8xi32, #tpu.memory_space<vmem>>)
        tpu.yield
      }) : () -> ()
      %dma_start3A = arith.constant 0 : i32
      %dma_start3A_9 = arith.constant 0 : i32
      %dma_start3A_10 = tpu.memref_slice %arg2[%dma_start3A, %dma_start3A_9] : memref<4x256xf32, #tpu.memory_space<hbm>> -> memref<4x256xf32, #tpu.memory_space<hbm>>
      tpu.enqueue_indirect_dma source(%dma_start3A_10 : memref<4x256xf32, #tpu.memory_space<hbm>>) target(%arg7 : memref<8x256xf32, #tpu.memory_space<vmem>>) offsets(%arg6 : memref<8xi32, #tpu.memory_space<vmem>>) semaphore(%arg9 : memref<!tpu.dma_semaphore, #tpu.memory_space<semaphore_mem>>)
      %dma_wait3A = arith.constant 0 : i32
      %dma_wait3A_11 = arith.constant 0 : i32
      %dma_wait3A_12 = tpu.memref_slice %arg2[%dma_wait3A, %dma_wait3A_11] : memref<4x256xf32, #tpu.memory_space<hbm>> -> memref<4x256xf32, #tpu.memory_space<hbm>>
      tpu.wait_indirect_dma semaphore(%arg9 : memref<!tpu.dma_semaphore, #tpu.memory_space<semaphore_mem>>) src(%dma_wait3A_12 : memref<4x256xf32, #tpu.memory_space<hbm>>) dst(%arg7 : memref<8x256xf32, #tpu.memory_space<vmem>>)
      "tpu.region"() ({
        %run_scoped3A = tpu.sem_alloc : memref<!tpu.dma_semaphore, #tpu.memory_space<semaphore_mem>>
        %dma_start3A_13 = arith.constant 0 : i32
        %dma_start3A_14 = tpu.memref_slice %arg4[%mul3A_8, %dma_start3A_13] : memref<128x256xf32, #tpu.memory_space<hbm>> -> memref<8x256xf32, #tpu.memory_space<hbm>>
        %dma_start3A_15 = arith.constant 0 : i32
        %dma_start3A_16 = tpu.memref_slice %arg4[%mul3A_8, %dma_start3A_15] : memref<128x256xf32, #tpu.memory_space<hbm>> -> memref<8x256xf32, #tpu.memory_space<hbm>>
        tpu.enqueue_dma source(%arg7 : memref<8x256xf32, #tpu.memory_space<vmem>>) target(%dma_start3A_16 : memref<8x256xf32, #tpu.memory_space<hbm>>) target_semaphore(%run_scoped3A : memref<!tpu.dma_semaphore, #tpu.memory_space<semaphore_mem>>)
        %dma_wait3A_17 = arith.constant 0 : i32
        %dma_wait3A_18 = tpu.memref_slice %arg4[%mul3A_8, %dma_wait3A_17] : memref<128x256xf32, #tpu.memory_space<hbm>> -> memref<8x256xf32, #tpu.memory_space<hbm>>
        %dma_wait3A_19 = arith.constant 0 : i32
        %dma_wait3A_20 = tpu.memref_slice %arg4[%mul3A_8, %dma_wait3A_19] : memref<128x256xf32, #tpu.memory_space<hbm>> -> memref<8x256xf32, #tpu.memory_space<hbm>>
        tpu.wait_dma2 semaphore(%run_scoped3A : memref<!tpu.dma_semaphore, #tpu.memory_space<semaphore_mem>>) src(%arg7 : memref<8x256xf32, #tpu.memory_space<vmem>>) dst(%dma_wait3A_20 : memref<8x256xf32, #tpu.memory_space<hbm>>)
        tpu.yield
      }) : () -> ()
    } else {
    }
    %eq3A = arith.constant 16 : i32
    %eq3A_3 = arith.cmpi eq, %add3A, %eq3A : i32
    %convert_element_type3A_4 = arith.extui %eq3A_3 : i1 to i32
    %cond3A_5 = arith.constant 0 : i32
    %cond3A_6 = arith.cmpi ne, %convert_element_type3A_4, %cond3A_5 : i32
    scf.if %cond3A_6 {
      "tpu.region"() ({
        %run_scoped3A = tpu.sem_alloc : memref<!tpu.dma_semaphore, #tpu.memory_space<semaphore_mem>>
        tpu.enqueue_dma source(%arg2 : memref<4x256xf32, #tpu.memory_space<hbm>>) target(%arg8 : memref<4x256xf32, #tpu.memory_space<vmem>>) target_semaphore(%run_scoped3A : memref<!tpu.dma_semaphore, #tpu.memory_space<semaphore_mem>>)
        tpu.wait_dma2 semaphore(%run_scoped3A : memref<!tpu.dma_semaphore, #tpu.memory_space<semaphore_mem>>) src(%arg2 : memref<4x256xf32, #tpu.memory_space<hbm>>) dst(%arg8 : memref<4x256xf32, #tpu.memory_space<vmem>>)
        tpu.yield
      }) : () -> ()
      "tpu.region"() ({
        %run_scoped3A = tpu.sem_alloc : memref<!tpu.dma_semaphore, #tpu.memory_space<semaphore_mem>>
        tpu.enqueue_dma source(%arg8 : memref<4x256xf32, #tpu.memory_space<vmem>>) target(%arg5 : memref<4x256xf32, #tpu.memory_space<hbm>>) target_semaphore(%run_scoped3A : memref<!tpu.dma_semaphore, #tpu.memory_space<semaphore_mem>>)
        tpu.wait_dma2 semaphore(%run_scoped3A : memref<!tpu.dma_semaphore, #tpu.memory_space<semaphore_mem>>) src(%arg8 : memref<4x256xf32, #tpu.memory_space<vmem>>) dst(%arg5 : memref<4x256xf32, #tpu.memory_space<hbm>>)
        tpu.yield
      }) : () -> ()
    } else {
    }
    return
  }
}

</mosaic_0001>

<sc_bundles>
// kernel: att_row_gather_sc.3.cloned.1.call-start
scs
__scs_entry_jumppad:
0x0: {  	(pc) =	sbr.rel $0x88, $3  }
0x1: {  	(tag) =	ssettag $0x0;
	lr =	simm.s32 $0x1  }
0x2: {  	[smem:$0x3F9E] =	sst lr;
	_ =	strace $0xD0000000  }
0x3: {  	_ = 	snop  }
0x4: {  	_ = 	snop  }
0x5: {  	_ = 	snop  }
0x6: {  	_ = 	snop  }
0x7: {  	_ = 	snop  }
__scs_overlays_trampoline_lowered:
0x8: {  	[smem:$0x3FAD] =	sst s0  }
0x9: {  	[smem:$0x3FAE] =	sst s1  }
0xa: {  	[smem:$0x3FAF] =	sst s2  }
0xb: {  	[smem:$0x3FB0] =	sst s3  }
0xc: {  	[smem:$0x3FB1] =	sst s4  }
0xd: {  	[smem:$0x3FB2] =	sst s5  }
0xe: {  	[smem:$0x3FB3] =	sst s6  }
0xf: {  	[smem:$0x3FB4] =	sst s7  }
0x10: {  	[smem:$0x3FB5] =	sst s8  }
0x11: {  	[smem:$0x3FB6] =	sst s9;
	s0 =	simm.s32 @!p0 $0x0  }
0x12: {  	s1 =	sld [smem:$0x3F9C];
	s0 =	simm.s32 @p0 $0x1  }
0x13: {  	[smem:$0x3FB7] =	sst s0;
	s0 =	simm.s32 @!p1 $0x0  }
0x14: {  	s2 =	sld [smem:$0x3F9B];
	s0 =	simm.s32 @p1 $0x1  }
0x15: {  	[smem:$0x3FB8] =	sst s0;
	s0 =	simm.s32 @!p2 $0x0  }
0x16: {  	s3 =	sld [smem:$0x3FDB];
	s0 =	simm.s32 @p2 $0x1  }
0x17: {  	s4 =	simm.s32 $0x1BF5;
	[smem:$0x3FBA] =	sst s0  }
0x18: {  	s0 =	sld [smem:$0x3F9D];
	_ =	swait.ge [sflag:s4], $0x0  }
0x19: {  	s7 =	sld [smem:$0x3F9E]  }
0x1a: {  	s8 =	sadd.s32 $0xFFFFE003, lr  }
0x1b: {  	s9 =	sadd.s32 $0xFFFFFEF7, lr;
	s5 =	simm.s32 $0xFFFFFFFF;
	p2 =	slt.u32 s8, $0xFFFFF086  }
0x1c: {  	p1 =	slt.u32 s9, $0xF7A;
	s5 =	simm.s32 @!p2 $0x0  }
0x1d: {  	s5 =	simm.s32 @p1 $0x1;
	p0 =	seq.s32 s7, s2  }
0x1e: {  	s7 =	smul.u32 @!p0 $0xF7A, s2;
	p2 =	seq.s32 @!p0 s5, $0x0  }
0x1f: {  	s9 =	smul.u32 $0xF7A, s1;
	s8 =	simm.s32 @!p0 $0x1BF5;
	p2 =	por !p2, p0  }
0x20: {  	[sflag:s8] =	ssyncset.s32 @!p0 $0xFFFFF086;
	s6 =	sadd.s32 @!p0 s3, s7;
	s7 =	simm.s32 @!p0 $0x108  }
0x21: {  	s3 =	sadd.s32 s3, s9;
	s6 =	sadd.s32 @!p0 $0x88, s6;
	s7 =	simm.s32 @p2 $0x1082  }
0x22: {  	[simem:s7], [sflag:s8] =	dma.local @!p0 [hbm:s6], $0xF7A  }
0x23: {  	s9 =	sor.u32 $0xD0000000, s2;
	s6 =	simm.s32 $0x108;
	_ =	swait.ge @!p0 [sflag:s8], $0x0  }
0x24: {  	s3 =	sadd.s32 $0x88, s3;
	s6 =	simm.s32 @!p1 $0x1082;
	[sflag:s4] =	ssyncset.s32 $0xFFFFF086  }
0x25: {  	[simem:s6], [sflag:s4] =	dma.local [hbm:s3], $0xF7A  }
0x26: {  	[smem:$0x3F9E] =	sst s1;
	(tag) =	ssettag s2;
	_ =	strace s9  }
0x27: {  	s1 =	sld [smem:$0x3FAE]  }
0x28: {  	s2 =	sld [smem:$0x3FAF]  }
0x29: {  	s4 =	sld [smem:$0x3FB1]  }
0x2a: {  	p0 =	seq.s32 s5, $0x0;
	s5 =	sld [smem:$0x3FB2]  }
0x2b: {  	s6 =	sld [smem:$0x3FB3]  }
0x2c: {  	s7 =	sld [smem:$0x3FB4]  }
0x2d: {  	s3 =	simm.s32 $0x108;
	s8 =	sld [smem:$0x3FB5]  }
0x2e: {  	s3 =	simm.s32 @!p0 $0x1082;
	s9 =	sld [smem:$0x3FB6]  }
0x2f: {  	lr =	sadd.s32 s0, s3;
	s0 =	sld [smem:$0x3FAD]  }
0x30: {  	s3 =	sld [smem:$0x3FB0]  }
0x31: {  	[smem:$0x3FB9] =	sst s10  }
0x32: {  	s10 =	sld [smem:$0x3FB7];
	_ =	sdelay $0x3  }
0x33: {  	p0 =	seq.s32 s10, $0x1;
	s10 =	sld [smem:$0x3FB9];
	_ =	sdelay $0x3  }
0x34: {  	[smem:$0x3FB9] =	sst s10  }
0x35: {  	s10 =	sld [smem:$0x3FB8];
	_ =	sdelay $0x3  }
0x36: {  	p1 =	seq.s32 s10, $0x1;
	s10 =	sld [smem:$0x3FB9];
	_ =	sdelay $0x3  }
0x37: {  	[smem:$0x3FB9] =	sst s10  }
0x38: {  	s10 =	sld [smem:$0x3FBA]  }
0x39: {  	_ = 	snop;
	(pc) =	sbr.ind lr, $3  }
0x3a: {  	_ = 	snop  }
0x3b: {  	_ = 	snop  }
0x3c: {  	p2 =	seq.s32 s10, $0x1;
	s10 =	sld [smem:$0x3FB9]  }
0x3d: {  	_ =	shalt  }
0x3e: {  	_ =	shalt  }
0x3f: {  	_ =	shalt  }
0x40: {  	_ =	shalt  }
0x41: {  	_ =	shalt  }
0x42: {  	_ =	shalt  }
0x43: {  	_ =	shalt  }
0x44: {  	_ =	shalt  }
0x45: {  	_ =	shalt  }
0x46: {  	_ =	shalt  }
0x47: {  	_ =	shalt  }
0x48: {  	_ =	shalt  }
0x49: {  	_ =	shalt  }
0x4a: {  	_ =	shalt  }
0x4b: {  	_ =	shalt  }
0x4c: {  	_ =	shalt  }
0x4d: {  	_ =	shalt  }
0x4e: {  	_ =	shalt  }
0x4f: {  	_ =	shalt  }
0x50: {  	_ =	shalt  }
0x51: {  	_ =	shalt  }
0x52: {  	_ =	shalt  }
0x53: {  	_ =	shalt  }
0x54: {  	_ =	shalt  }
0x55: {  	_ =	shalt  }
0x56: {  	_ =	shalt  }
0x57: {  	_ =	shalt  }
0x58: {  	_ =	shalt  }
0x59: {  	_ =	shalt  }
0x5a: {  	_ =	shalt  }
0x5b: {  	_ =	shalt  }
0x5c: {  	_ =	shalt  }
0x5d: {  	_ =	shalt  }
0x5e: {  	_ =	shalt  }
0x5f: {  	_ =	shalt  }
0x60: {  	_ =	shalt  }
0x61: {  	_ =	shalt  }
0x62: {  	_ =	shalt  }
0x63: {  	_ =	shalt  }
0x64: {  	_ =	shalt  }
0x65: {  	_ =	shalt  }
0x66: {  	_ =	shalt  }
0x67: {  	_ =	shalt  }
0x68: {  	_ =	shalt  }
0x69: {  	_ =	shalt  }
0x6a: {  	_ =	shalt  }
0x6b: {  	_ =	shalt  }
0x6c: {  	_ =	shalt  }
0x6d: {  	_ =	shalt  }
0x6e: {  	_ =	shalt  }
0x6f: {  	_ =	shalt  }
0x70: {  	_ =	shalt  }
0x71: {  	_ =	shalt  }
0x72: {  	_ =	shalt  }
0x73: {  	_ =	shalt  }
0x74: {  	_ =	shalt  }
0x75: {  	_ =	shalt  }
0x76: {  	_ =	shalt  }
0x77: {  	_ =	shalt  }
0x78: {  	_ =	shalt  }
0x79: {  	_ =	shalt  }
0x7a: {  	_ =	shalt  }
0x7b: {  	_ =	shalt  }
0x7c: {  	_ =	shalt  }
0x7d: {  	_ =	shalt  }
0x7e: {  	_ =	shalt  }
0x7f: {  	_ =	shalt  }
0x80: {  	_ =	shalt  }
0x81: {  	_ =	shalt  }
0x82: {  	_ =	shalt  }
0x83: {  	_ =	shalt  }
0x84: {  	_ =	shalt  }
0x85: {  	_ =	shalt  }
0x86: {  	_ =	shalt  }
0x87: {  	_ =	shalt  }
.Lfunc_end0:
.L_simem_size_0:
called_computation_lowered:
.L_overlay_start_0:
0x88: {  	s2 =	sld [smem:$0x3FD9]  }
0x89: {  	s3 =	sld [smem:$0x3FFE];
	_ =	sdelay $0x1  }
0x8a: {  	s1 =	srdreg.scid  }
0x8b: {  	s0 =	sand.u32 $0x1, s1  }
0x8c: {  	s14 =	sshll.u32 s0, $0xA;
	s2 =	sadd.s32 s3, s2  }
0x8d: {  	s2 =	sadd.s32 s2, s14  }
0x8e: {  	[smem:$0x3FC5] =	sst s2  }
0x8f: {  	_ = 	snop  }
0x90: {  	s2 =	sld [smem:$0x3FD0];
	_ =	sdelay $0x2  }
0x91: {  	s4 =	simm.s32 $0xA;
	s5 =	simm.s32 $0x10;
	s15 =	sld [smem:$0x3FC8]  }
0x92: {  	[smem:s5], [sflag:s4] =	dma.local [hbm:s2], $0x1  }
0x93: {  	_ =	swait.eq [sflag:s4], $0x1  }
0x94: {  	[sflag:s4] =	ssyncset.done $0x0  }
0x95: {  	s16 =	sld [smem:$0x10];
	[sflag:s4] =	ssyncadd.s32 $0xFFFFFFFF  }
0x96: {  	s17 =	sld [smem:$0x11];
	(tm) =	ssettm $0x1  }
0x97: {  	s18 =	sld [smem:$0x3FFB];
	_ =	sdelay $0x3  }
0x98: {  	_ =	strace s18  }
0x99: {  	s5 =	sld [smem:$0x3FFC];
	_ =	sdelay $0x3  }
0x9a: {  	_ =	strace s5  }
0x9b: {  	s5 =	sld [smem:$0x3FFD];
	_ =	sdelay $0x3  }
0x9c: {  	_ =	strace s5  }
0x9d: {  	_ =	strace $0x8FFFFFFF  }
0x9e: {  	s19 =	sld [smem:$0x3FDB];
	_ =	sdelay $0x1  }
0x9f: {  	s6 =	simm.s32 $_scs_section_size  }
0xa0: {  	s7 =	simm.s32 $_size__tile_overlayer_lowered;
	s8 =	simm.s32 $_tile_overlayer_lowered  }
0xa1: {  	s22 =	simm.s32 $0x1BFF;
	s21 =	sshll.u32 s8, $0x1;
	s5 =	sadd.s32 s6, s19  }
0xa2: {  	s9 =	simm.s32 $0x0;
	s20 =	sshll.u32 s7, $0x1;
	s7 =	sadd.s32 s21, s5  }
0xa3: {  	[timem:s9], [sflag:s22] =	dma.local [hbm:s7], s20  }
0xa4: {  	_ =	swait.ge [sflag:s22], s20  }
0xa5: {  	s6 =	ssub.s32 $0x0, s20;
	[sflag:s22] =	ssyncset.done $0x0  }
0xa6: {  	[sflag:s22] =	ssyncadd.s32 s6;
	_ =	sdelay $0x1  }
0xa7: {  	s23 =	simm.s32 $0x1B8B  }
0xa8: {  	_ =	swait.ge [sflag:s23], $0x1  }
0xa9: {  	[sflag:s23] =	ssyncset.done $0x0  }
0xaa: {  	s25 =	simm.s32 $0x1B8E;
	s24 =	sld [smem:$0x3FFE];
	[sflag:s23] =	ssyncadd.s32 $0xFFFFFFFF  }
0xab: {  	s26 =	simm.s32 $execute0_lowered;
	[smem:$0x3FD2] =	sst s25  }
0xac: {  	s7 =	sshll.u32 s26, $0x1;
	_ =	strace $0x80000046;
	[dreg:$0x1] =	wrdreg $0xFFFFFFFF  }
0xad: {  	s28 =	simm.s32 $_size_execute0_lowered;
	s5 =	sadd.s32 s5, s7;
	[dreg:$0x0] =	wrdreg $0x0  }
0xae: {  	s7 =	sshll.u32 s28, $0x1;
	[dreg:$0x2] =	wrdreg s5  }
0xaf: {  	[dreg:$0x3] =	wrdreg s7  }
0xb0: {  	[dreg:$0x4] =	wrdreg $0xC0  }
0xb1: {  	_ =	task [dreg:s9], $0x5FFFF  }
0xb2: {  	[dreg:$0x1] =	wrdreg $0xFFFFFFFF  }
0xb3: {  	[dreg:$0x0] =	wrdreg $0x60  }
0xb4: {  	[dreg:$0x2] =	wrdreg s17  }
0xb5: {  	[dreg:$0x3] =	wrdreg s15  }
0xb6: {  	[dreg:$0x4] =	wrdreg s16  }
0xb7: {  	[dreg:$0x5] =	wrdreg s24  }
0xb8: {  	[dreg:$0x6] =	wrdreg $0x9  }
0xb9: {  	_ =	task.clear_ibuf [dreg:s9], $0x7FFFF;
	_ =	strace $0x90000046  }
0xba: {  	s29 =	simm.s32 $0x9;
	_ =	strace $0x80000048  }
0xbb: {  	_ =	swait.ge [sflag:s29], $0x1  }
0xbc: {  	[sflag:s29] =	ssyncadd.s32 $0xFFFFFFFF  }
0xbd: {  	_ =	strace $0x90000048  }
0xbe: {  	_ =	sfence  }
0xbf: {  	s30 =	sld [smem:$0x0];
	_ =	sdelay $0x2  }
0xc0: {  	s31 =	sshll.u32 s1, $0xD;
	s1 =	sshrl.u32 s1, $0x2  }
0xc1: {  	s3 =	sand.u32 $0x4000, s31;
	s1 =	sadd.s32 s1, s30  }
0xc2: {  	s0 =	sor.u32 s3, s0;
	s1 =	sshll.u32 s1, $0x11  }
0xc3: {  	s0 =	sor.u32 s1, s0  }
0xc4: {  	s0 =	sadd.s32 $0x8F2B, s0  }
0xc5: {  	[sflag:s0] =	ssyncadd.remote.s32 $0x1  }
0xc6: {  	_ =	sfence.sel $0xFFFF  }
0xc7: {  	[dreg:$0x0] =	wrdreg $0xFFFFFFFF;
	(pc) =	sbr.abs _section_cstart, $3  }
0xc8: {  	[dreg:$0x1] =	wrdreg $0xFFFFFFFF  }
0xc9: {  	_ =	task.clear_ibuf [dreg:s9], $0x2FFFF;
	_ =	strace $0x9FFFFFFF  }
0xca: {  	(tm) =	ssettm $0x7FFFFFFF  }
0xcb: {  	_ =	shalt  }
tec
execute0_lowered:
.L_overlay_start_1:
0x0: {  	(tag) =	ssettag $0x1  }
0x1: {  	s0 =	srdreg.scid  }
0x2: {  	s3 =	sand.u32 $0x1, s0  }
0x3: {  	s7 =	ssub.s32 $0x2, s3  }
0x4: {  	s8 =	sshrl.u32 s7, $0x1  }
0x5: {  	s2 =	rddreg [dreg:$0x0];
	s7 =	ssub.s32 s7, s8  }
0x6: {  	s4 =	rddreg [dreg:$0x1];
	s7 =	smax.u32 s7, $0x1  }
0x7: {  	s6 =	rddreg [dreg:$0x2];
	s13 =	sadd.s32 $0xFFFFFFFF, s7  }
0x8: {  	s5 =	rddreg [dreg:$0x3];
	p3 =	sne.s32 s13, $0x0  }
.Ltmp0:
0x9: {  	s29 =	simm.s32 $0x0;
	s1 =	stileid.u32;
	(pc) =	sbr.rel @!p3 .LBB2_3-.Ltmp0, $4  }
0xa: {  	p2 =	por $0x0, $0x0;
	[smem:$0x7FF] =	sst s29;
	s30 =	sshll.u32 s1, $0x1  }
0xb: {  	s0 =	rddreg [dreg:$0x4];
	p1 =	sgt.u32 s1, $0x7;
	s8 =	sor.u32 s3, s30  }
0xc: {  	_ =	strace $0x80000047;
	s3 =	sadd.s32 $0x800, s5;
	s31 =	sshll.u32 s8, $0x8  }
0xd: {  	vm0 =	vmmov @!p1 $0xffff;
	s5 =	sadd.s32 s4, s8;
	p0 =	sne.s32 s8, $0x10;
	s4 =	sadd.s32 s6, s31  }
0xe: {  	s6 =	simm.s32 @!p1 $0x0;
	s7 =	simm.s32 @!p1 $0x2  }
0xf: {  	[tilespmem:s6], [sflag:$0x2] =	stream.linear.gather @!p1 [hbm4b:s5+s6], $0x8, $0x38;
	[tilespmem:$0xC80] =	vst v63  }
0x10: {  	_ =	swait.ge @!p1 [sflag:s7], $0x8  }
0x11: {  	[sflag:s7] =	ssyncset.done @!p1 $0x0  }
0x12: {  	[sflag:s7] =	ssyncadd.s32 @!p1 $0xFFFFFFF8  }
0x13: {  	v0 =	vld.msk @!p1 [tilespmem:$0x0], $0xff;
	_ =	sdelay $0x4  }
0x14: {  	v1 =	vshll.u32 @!p1 v0, $0x1  }
0x15: {  	v2 =	vlaneseq.u32 @!p1;
	v0 =	vand.u32 @!p1 $0x3, v0;
	v1 =	vand.u32 @!p1 $0xFFFFFFF8, v1  }
0x16: {  	v1 =	vor.u32 @!p1 v0, v1;
	v0 =	vand.u32 @!p1 $0x7, v2;
	v2 =	vshrl.u32 @!p1 v2, $0x3  }
0x17: {  	v3 =	vperm.xlane @!p1 v1, v0;
	v1 =	vmul.u32 @!p1 $0x4, v2;
	_ =	sdelay $0x1  }
0x18: {  	v2 =	vadd.s32 @!p1 v1, v3;
	_ =	sdelay $0x3  }
0x19: {  	s9 =	simm.s32 @!p1 $0x80;
	s10 =	simm.s32 @!p1 $0x1  }
0x1a: {  	[tilespmem:s9], [sflag:$0x1] =	stream.indirect_vreg.gather @!p1 [hbm4b:s2+s6], $0x80, v2, vm0, $0xb8;
	[tilespmem:$0xC80] =	vst v63  }
0x1b: {  	_ =	swait.ge @!p1 [sflag:s10], $0x800  }
0x1c: {  	[sflag:s10] =	ssyncset.done @!p1 $0x0  }
0x1d: {  	[sflag:s10] =	ssyncadd.s32 @!p1 $0xFFFFF800  }
0x1e: {  	[hbm4b:s4+s6] =	stream.linear.scatter @!p1 [tilespmem:s9], [sflag:$0x2], $0x800, $0x38;
	[tilespmem:$0xC80] =	vst v63  }
0x1f: {  	_ =	swait.ge @!p1 [sflag:s7], $0x800  }
0x20: {  	s8 =	simm.s32 @!p0 $0x2;
	s11 =	simm.s32 @!p0 $0x0;
	[sflag:s7] =	ssyncset.done @!p1 $0x0  }
0x21: {  	s12 =	simm.s32 @!p0 $0x880;
	s13 =	sadd.s32 $0xFFFFFFFF, s13;
	[sflag:s7] =	ssyncadd.s32 @!p1 $0xFFFFF800  }
0x22: {  	[tilespmem:s12], [sflag:$0x2] =	stream.linear.gather @!p0 [hbm4b:s2+s11], $0x400, $0x38;
	[tilespmem:$0xC80] =	vst v63  }
0x23: {  	p3 =	sne.s32 s13, $0x0;
	_ =	swait.ge @!p0 [sflag:s8], $0x400  }
.Ltmp1:
0x24: {  	[sflag:s8] =	ssyncset.done @!p0 $0x0;
	(pc) =	sbr.rel @!p3 .LBB2_3-.Ltmp1, $4  }
0x25: {  	[sflag:s8] =	ssyncadd.s32 @!p0 $0xFFFFFC00  }
0x26: {  	[hbm4b:s3+s11] =	stream.linear.scatter @!p0 [tilespmem:s12], [sflag:$0x2], $0x400, $0x38;
	[tilespmem:$0xC80] =	vst v63  }
0x27: {  	_ =	swait.ge @!p0 [sflag:s8], $0x400  }
0x28: {  	p2 =	por $0x1, $0x1;
	[sflag:s8] =	ssyncset.done @!p0 $0x0  }
.LBB2_2:
0x29: {  	[sflag:s8] =	ssyncadd.s32 @!p0 $0xFFFFFC00  }
0x2a: {  	[tilespmem:s6], [sflag:$0x2] =	stream.linear.gather @!p1 [hbm4b:s5+s6], $0x8, $0x38;
	[tilespmem:$0xC80] =	vst v63  }
0x2b: {  	s13 =	sadd.s32 $0xFFFFFFFF, s13;
	_ =	swait.ge @!p1 [sflag:s7], $0x8  }
0x2c: {  	p3 =	sne.s32 s13, $0x0;
	[sflag:s7] =	ssyncset.done @!p1 $0x0  }
0x2d: {  	[sflag:s7] =	ssyncadd.s32 @!p1 $0xFFFFFFF8  }
0x2e: {  	v2 =	vld.msk @!p1 [tilespmem:$0x0], $0xff;
	_ =	sdelay $0x4  }
0x2f: {  	v3 =	vshll.u32 @!p1 v2, $0x1  }
0x30: {  	v2 =	vand.u32 @!p1 $0x3, v2;
	v3 =	vand.u32 @!p1 $0xFFFFFFF8, v3  }
0x31: {  	v2 =	vor.u32 @!p1 v2, v3  }
0x32: {  	v2 =	vperm.xlane @!p1 v2, v0;
	_ =	sdelay $0x1  }
0x33: {  	v2 =	vadd.s32 @!p1 v1, v2;
	_ =	sdelay $0x4  }
0x34: {  	[tilespmem:s9], [sflag:$0x1] =	stream.indirect_vreg.gather @!p1 [hbm4b:s2+s6], $0x80, v2, vm0, $0xb8;
	[tilespmem:$0xC80] =	vst v63  }
0x35: {  	_ =	swait.ge @!p1 [sflag:s10], $0x800  }
0x36: {  	[sflag:s10] =	ssyncset.done @!p1 $0x0  }
0x37: {  	[sflag:s10] =	ssyncadd.s32 @!p1 $0xFFFFF800  }
0x38: {  	[hbm4b:s4+s6] =	stream.linear.scatter @!p1 [tilespmem:s9], [sflag:$0x2], $0x800, $0x38;
	[tilespmem:$0xC80] =	vst v63  }
0x39: {  	_ =	swait.ge @!p1 [sflag:s7], $0x800  }
0x3a: {  	[sflag:s7] =	ssyncset.done @!p1 $0x0  }
0x3b: {  	[sflag:s7] =	ssyncadd.s32 @!p1 $0xFFFFF800  }
0x3c: {  	[tilespmem:s12], [sflag:$0x2] =	stream.linear.gather @!p0 [hbm4b:s2+s11], $0x400, $0x38;
	[tilespmem:$0xC80] =	vst v63  }
0x3d: {  	_ =	swait.ge @!p0 [sflag:s8], $0x400  }
.Ltmp2:
0x3e: {  	[sflag:s8] =	ssyncset.done @!p0 $0x0;
	(pc) =	sbr.rel @p3 .LBB2_2-.Ltmp2, $4  }
0x3f: {  	[sflag:s8] =	ssyncadd.s32 @!p0 $0xFFFFFC00  }
0x40: {  	[hbm4b:s3+s11] =	stream.linear.scatter @!p0 [tilespmem:s12], [sflag:$0x2], $0x400, $0x38;
	[tilespmem:$0xC80] =	vst v63  }
0x41: {  	_ =	swait.ge @!p0 [sflag:s8], $0x400  }
0x42: {  	[sflag:s8] =	ssyncset.done @!p0 $0x0  }
.LBB2_3:
0x43: {  	p2 =	por p0, !p2  }
0x44: {  	s6 =	simm.s32 @!p1 $0x0;
	s7 =	simm.s32 @!p1 $0x2;
	[sflag:s8] =	ssyncadd.s32 @!p2 $0xFFFFFC00  }
0x45: {  	[tilespmem:s6], [sflag:$0x2] =	stream.linear.gather @!p1 [hbm4b:s5+s6], $0x8, $0x38;
	[tilespmem:$0xC80] =	vst v63  }
0x46: {  	_ =	swait.ge @!p1 [sflag:s7], $0x8  }
0x47: {  	[sflag:s7] =	ssyncset.done @!p1 $0x0  }
0x48: {  	[sflag:s7] =	ssyncadd.s32 @!p1 $0xFFFFFFF8  }
0x49: {  	v0 =	vld.msk @!p1 [tilespmem:$0x0], $0xff;
	_ =	sdelay $0x4  }
0x4a: {  	v1 =	vshll.u32 @!p1 v0, $0x1  }
0x4b: {  	v2 =	vlaneseq.u32 @!p1;
	v0 =	vand.u32 @!p1 $0x3, v0;
	v1 =	vand.u32 @!p1 $0xFFFFFFF8, v1  }
0x4c: {  	v0 =	vor.u32 @!p1 v0, v1;
	v1 =	vand.u32 @!p1 $0x7, v2;
	v2 =	vshrl.u32 @!p1 v2, $0x3  }
0x4d: {  	v0 =	vperm.xlane @!p1 v0, v1;
	v1 =	vmul.u32 @!p1 $0x4, v2;
	_ =	sdelay $0x1  }
0x4e: {  	v0 =	vadd.s32 @!p1 v1, v0;
	_ =	sdelay $0x3  }
0x4f: {  	s8 =	simm.s32 @!p1 $0x1;
	s5 =	simm.s32 @!p1 $0x80  }
0x50: {  	[tilespmem:s5], [sflag:$0x1] =	stream.indirect_vreg.gather @!p1 [hbm4b:s2+s6], $0x80, v0, vm0, $0xb8;
	[tilespmem:$0xC80] =	vst v63  }
0x51: {  	_ =	swait.ge @!p1 [sflag:s8], $0x800  }
0x52: {  	[sflag:s8] =	ssyncset.done @!p1 $0x0  }
0x53: {  	[sflag:s8] =	ssyncadd.s32 @!p1 $0xFFFFF800  }
0x54: {  	[hbm4b:s4+s6] =	stream.linear.scatter @!p1 [tilespmem:s5], [sflag:$0x2], $0x800, $0x38;
	[tilespmem:$0xC80] =	vst v63  }
0x55: {  	_ =	swait.ge @!p1 [sflag:s7], $0x800  }
0x56: {  	s4 =	simm.s32 @!p0 $0x2;
	[sflag:s7] =	ssyncset.done @!p1 $0x0  }
0x57: {  	s5 =	simm.s32 @!p0 $0x0;
	s6 =	simm.s32 @!p0 $0x880;
	[sflag:s7] =	ssyncadd.s32 @!p1 $0xFFFFF800  }
0x58: {  	[tilespmem:s6], [sflag:$0x2] =	stream.linear.gather @!p0 [hbm4b:s2+s5], $0x400, $0x38;
	[tilespmem:$0xC80] =	vst v63  }
0x59: {  	_ =	swait.ge @!p0 [sflag:s4], $0x400  }
0x5a: {  	[sflag:s4] =	ssyncset.done @!p0 $0x0  }
0x5b: {  	[sflag:s4] =	ssyncadd.s32 @!p0 $0xFFFFFC00  }
0x5c: {  	[hbm4b:s3+s5] =	stream.linear.scatter @!p0 [tilespmem:s6], [sflag:$0x2], $0x400, $0x38;
	[tilespmem:$0xC80] =	vst v63  }
0x5d: {  	_ =	swait.ge @!p0 [sflag:s4], $0x400  }
0x5e: {  	[sflag:s4] =	ssyncset.done @!p0 $0x0  }
0x5f: {  	[sflag:s4] =	ssyncadd.s32 @!p0 $0xFFFFFC00  }
0x60: {  	_ =	sfence.sel $0x180000  }
0x61: {  	[bflag:$0x0] =	sbarrier.arrive $0xFFFF  }
0x62: {  	p0 =	sne.s32 s1, $0x0;
	_ =	strace $0x90000047  }
0x63: {  	s0 =	sadd.s32 @!p0 $0x100000, s0;
	[bflag:$0x2] =	sbarrier.arrive $0xFFFF  }
0x64: {  	[sflag:s0] =	ssyncadd.tile.s32 @!p0 $0x1;
	_ =	shalt  }
.Lfunc_end2:
_tile_overlayer_lowered:
.L_overlay_start_2:
0x65: {  	(tag) =	ssettag $0x2  }
0x66: {  	s0 =	rddreg [dreg:$0x0];
	s2 =	stileid.u32  }
0x67: {  	s1 =	rddreg [dreg:$0x1];
	p0 =	sne.s32 s2, $0x0  }
0x68: {  	s3 =	rddreg [dreg:$0x2];
	[bflag:$0x3] =	sbarrier.arrive $0xFFFF;
	s2 =	simm.s32 @!p0 $0x1C02  }
0x69: {  	[timem:s3], [sflag:s2] =	dma.local @!p0 [hbm:s0], s1  }
0x6a: {  	s0 =	simm.s32 @!p0 $0x2  }
0x6b: {  	_ =	swait.ge @!p0 [sflag:s0], s1  }
0x6c: {  	s1 =	ssub.s32 @!p0 $0x0, s1;
	[sflag:s0] =	ssyncset.done @!p0 $0x0  }
0x6d: {  	[sflag:s0] =	ssyncadd.s32 @!p0 s1  }
0x6e: {  	[bflag:$0x3] =	sbarrier.arrive $0xFFFF  }
0x6f: {  	_ =	shalt  }

</sc_bundles>
